<compile_context>
chip_gen: v7x
topology: tpu7x:2x2x1
jax: 0.10.2.dev20260603
libtpu: 0.0.44.dev20260713+nightly
codegen_flags: <defaults>
</compile_context>

<pallas_src>
import functools

import jax
import jax.numpy as jnp
from jax import lax
from jax.experimental import pallas as pl
from jax.experimental.pallas import tpu as pltpu
from jax.experimental.pallas import tpu_sc as plsc

DIM = 2048
NEXP = 16
STOK = 4096
CAP = int(1.25 * STOK / NEXP)
TOK_BLK = 512
LANES = 16


def _router_body(x_ref, wt_ref, rnd_ref, e1_ref, e2_ref, g_ref, rc_ref):
    logits = jnp.dot(x_ref[...], wt_ref[...], preferred_element_type=jnp.float32)
    cols = lax.broadcasted_iota(jnp.int32, logits.shape, 1)
    l1 = jnp.max(logits, axis=1, keepdims=True)
    e1 = jnp.min(jnp.where(logits == l1, cols, NEXP), axis=1)
    lm = jnp.where(cols == e1[:, None], -jnp.inf, logits)
    l2 = jnp.max(lm, axis=1, keepdims=True)
    e2 = jnp.min(jnp.where(lm == l2, cols, NEXP), axis=1)
    g = 1.0 / (1.0 + jnp.exp(l2[:, 0] - l1[:, 0]))
    e1_ref[...] = e1
    e2_ref[...] = e2
    g_ref[...] = g
    rc_ref[...] = (rnd_ref[...] < 2.0 * g).astype(jnp.int32)


_router = pl.pallas_call(
    _router_body,
    grid=(STOK // TOK_BLK,),
    in_specs=[
        pl.BlockSpec((TOK_BLK, DIM), lambda i: (i, 0)),
        pl.BlockSpec((DIM, NEXP), lambda i: (0, 0)),
        pl.BlockSpec((TOK_BLK,), lambda i: (i,)),
    ],
    out_specs=[pl.BlockSpec((TOK_BLK,), lambda i: (i,))] * 4,
    out_shape=[
        jax.ShapeDtypeStruct((STOK,), jnp.int32),
        jax.ShapeDtypeStruct((STOK,), jnp.int32),
        jax.ShapeDtypeStruct((STOK,), jnp.float32),
        jax.ShapeDtypeStruct((STOK,), jnp.int32),
    ],
)


@functools.cache
def _build_assign():
    mesh = plsc.VectorSubcoreMesh(core_axis_name="c", subcore_axis_name="s")
    return functools.partial(
        pl.kernel,
        mesh=mesh,
        compiler_params=pltpu.CompilerParams(needs_layout_passes=False),
        out_type=jax.ShapeDtypeStruct((NEXP, STOK), jnp.float32),
        scratch_types=[
            pltpu.VMEM((STOK,), jnp.int32),
            pltpu.VMEM((STOK,), jnp.float32),
            pltpu.VMEM((STOK,), jnp.int32),
            pltpu.VMEM((STOK,), jnp.float32),
        ],
    )(_assign_body)


def _assign_body(e1_hbm, e2_hbm, g_hbm, rc_hbm, out_hbm, idx_v, g_v, rc_v, col_v):
    cid = lax.axis_index("c")
    sid = lax.axis_index("s")
    nchunks = STOK // LANES

    @pl.when(cid == 0)
    def _():
        e = sid
        pltpu.sync_copy(e1_hbm, idx_v)
        pltpu.sync_copy(g_hbm, g_v)
        pltpu.sync_copy(rc_hbm, rc_v)

        def pass1(k, c):
            v = idx_v[pl.ds(k * LANES, LANES)]
            m = v == e
            inc = jnp.where(m, 1, 0)
            pc = jnp.cumsum(inc)
            ok = m & ((pc - inc + c) < CAP)
            gs = g_v[pl.ds(k * LANES, LANES)]
            col_v[pl.ds(k * LANES, LANES)] = jnp.where(ok, gs, 0.0)
            return c + jnp.max(pc)

        n1 = lax.fori_loop(0, nchunks, pass1, 0)
        pltpu.sync_copy(e2_hbm, idx_v)

        def pass2(k, c):
            v = idx_v[pl.ds(k * LANES, LANES)]
            m = (v == e) & (rc_v[pl.ds(k * LANES, LANES)] != 0)
            inc = jnp.where(m, 1, 0)
            pc = jnp.cumsum(inc)
            ok = m & ((pc - inc + c) < CAP)
            gs = g_v[pl.ds(k * LANES, LANES)]
            prev = col_v[pl.ds(k * LANES, LANES)]
            col_v[pl.ds(k * LANES, LANES)] = jnp.where(ok, gs, prev)
            return c + jnp.max(pc)

        lax.fori_loop(0, nchunks, pass2, n1)
        pltpu.sync_copy(col_v, out_hbm.at[e])


def kernel(x, W_g):
    rnd = jax.random.uniform(jax.random.key(42), (x.shape[0],), dtype=jnp.float32)
    e1, e2, g, rc = _router(x, W_g.T, rnd)
    combine_t = _build_assign()(e1, e2, g, rc)
    return combine_t.T

# --- scband reference (transcript-rebuilt; emitter-appended) ---
"""Pipeline reference for scband-gating-91190745629222 (READ-ONLY COPY).

The authoritative reference and input builder live on the scoring server;
editing this copy changes nothing except your own understanding.
"""

import jax, jax.numpy as jnp
import numpy as np

DIM = 2048
NUM_EXPERTS = 16
S_TOK = 4096
CAPACITY_FACTOR = 1.25  # module default training mode -> capacity_factor_train
TOPK = 2


def setup_inputs(seed: int = 0) -> dict:
    key = jax.random.key(seed)
    k1, k2 = jax.random.split(key)
    x = jax.random.normal(k1, (S_TOK, DIM), dtype=jnp.float32)
    # nn.Linear(dim, num_experts, bias=False) weight: [num_experts, dim]
    W_g = jax.random.normal(k2, (NUM_EXPERTS, DIM), dtype=jnp.float32) / np.sqrt(DIM)
    return {"x": x, "W_g": W_g}


def _gating_forward(x, W_g, rnd):
    logits = x @ W_g.T
    gates = jax.nn.softmax(logits, axis=-1)
    S, E = gates.shape
    cap = float(int(CAPACITY_FACTOR * S / E))
    # torch.topk(gates, k=2) -> top-2 values/indices per token
    vals, idx = jax.lax.top_k(gates, TOPK)
    g1 = vals[:, 0]
    g2 = vals[:, 1]
    e1 = idx[:, 0]
    e2 = idx[:, 1]
    g1n = g1 / (g1 + g2)
    # NOTE: original torch code (faithfully) computes g2 = g1 / (g1 + g2)
    g2n = g1 / (g1 + g2)
    combine0 = jnp.zeros_like(gates)
    counts0 = jnp.zeros((E,), dtype=jnp.float32)

    def body1(carry, s):
        combine, counts = carry
        e = e1[s]
        ok = counts[e] < cap
        combine = combine.at[s, e].set(jnp.where(ok, g1n[s], combine[s, e]))
        counts = counts.at[e].add(jnp.where(ok, 1.0, 0.0))
        return (combine, counts), None

    (combine, counts), _ = jax.lax.scan(body1, (combine0, counts0), jnp.arange(S))

    def body2(carry, s):
        combine, counts = carry
        e = e2[s]
        ok = (counts[e] < cap) & (rnd[s] < 2.0 * g2n[s])
        combine = combine.at[s, e].set(jnp.where(ok, g2n[s], combine[s, e]))
        counts = counts.at[e].add(jnp.where(ok, 1.0, 0.0))
        return (combine, counts), None

    (combine, counts), _ = jax.lax.scan(body2, (combine, counts), jnp.arange(S))
    return combine


def reference(x, W_g):
    # per-token random draws (torch.rand(1) per token) -> deterministic fixed-key stream
    rnd = jax.random.uniform(jax.random.key(42), (x.shape[0],), dtype=jnp.float32)
    return _gating_forward(x, W_g, rnd)

if __name__ == "__main__":
    import jax
    _d = setup_inputs()
    print(jax.jit(kernel)(*tuple(_d.values())))

</pallas_src>

<mosaic_0001>
#map = affine_map<(d0, d1) -> (0)>
#map1 = affine_map<(d0, d1) -> (0, 0)>
module attributes {stable_mosaic.version = 14 : i64} {
  func.func @_assign_body(%arg0: i32, %arg1: i32, %arg2: memref<4096xi32, #tpu.memory_space<hbm>>, %arg3: memref<4096xi32, #tpu.memory_space<hbm>>, %arg4: memref<4096xf32, #tpu.memory_space<hbm>>, %arg5: memref<4096xi32, #tpu.memory_space<hbm>>, %arg6: memref<16x4096xf32, #tpu.memory_space<hbm>>, %arg7: memref<4096xi32, #tpu.memory_space<vmem>>, %arg8: memref<4096xf32, #tpu.memory_space<vmem>>, %arg9: memref<4096xi32, #tpu.memory_space<vmem>>, %arg10: memref<4096xf32, #tpu.memory_space<vmem>>) attributes {dimension_semantics = [#tpu.dimension_semantics<core_parallel>, #tpu.dimension_semantics<subcore_parallel>], iteration_bounds = array<i64: 2, 16>, scalar_prefetch = 0 : i64, scratch_operands = 4 : i64, tpu.core_type = #tpu.core_type<sc_vector_subcore>, window_params = [{transform_indices = #map}, {transform_indices = #map}, {transform_indices = #map}, {transform_indices = #map}, {transform_indices = #map1}]} {
    %eq3A = arith.constant 0 : i32
    %eq3A_0 = arith.cmpi eq, %arg0, %eq3A : i32
    %convert_element_type3A = arith.extui %eq3A_0 : i1 to i32
    %cond3A = arith.constant 0 : i32
    %cond3A_1 = arith.cmpi ne, %convert_element_type3A, %cond3A : i32
    scf.if %cond3A_1 {
      "tpu.region"() ({
        %run_scoped3A = tpu.sem_alloc : memref<!tpu.dma_semaphore, #tpu.memory_space<semaphore_mem>>
        tpu.enqueue_dma source(%arg2 : memref<4096xi32, #tpu.memory_space<hbm>>) target(%arg7 : memref<4096xi32, #tpu.memory_space<vmem>>) target_semaphore(%run_scoped3A : memref<!tpu.dma_semaphore, #tpu.memory_space<semaphore_mem>>)
        tpu.wait_dma2 semaphore(%run_scoped3A : memref<!tpu.dma_semaphore, #tpu.memory_space<semaphore_mem>>) src(%arg2 : memref<4096xi32, #tpu.memory_space<hbm>>) dst(%arg7 : memref<4096xi32, #tpu.memory_space<vmem>>)
        tpu.yield
      }) : () -> ()
      "tpu.region"() ({
        %run_scoped3A = tpu.sem_alloc : memref<!tpu.dma_semaphore, #tpu.memory_space<semaphore_mem>>
        tpu.enqueue_dma source(%arg4 : memref<4096xf32, #tpu.memory_space<hbm>>) target(%arg8 : memref<4096xf32, #tpu.memory_space<vmem>>) target_semaphore(%run_scoped3A : memref<!tpu.dma_semaphore, #tpu.memory_space<semaphore_mem>>)
        tpu.wait_dma2 semaphore(%run_scoped3A : memref<!tpu.dma_semaphore, #tpu.memory_space<semaphore_mem>>) src(%arg4 : memref<4096xf32, #tpu.memory_space<hbm>>) dst(%arg8 : memref<4096xf32, #tpu.memory_space<vmem>>)
        tpu.yield
      }) : () -> ()
      "tpu.region"() ({
        %run_scoped3A = tpu.sem_alloc : memref<!tpu.dma_semaphore, #tpu.memory_space<semaphore_mem>>
        tpu.enqueue_dma source(%arg5 : memref<4096xi32, #tpu.memory_space<hbm>>) target(%arg9 : memref<4096xi32, #tpu.memory_space<vmem>>) target_semaphore(%run_scoped3A : memref<!tpu.dma_semaphore, #tpu.memory_space<semaphore_mem>>)
        tpu.wait_dma2 semaphore(%run_scoped3A : memref<!tpu.dma_semaphore, #tpu.memory_space<semaphore_mem>>) src(%arg5 : memref<4096xi32, #tpu.memory_space<hbm>>) dst(%arg9 : memref<4096xi32, #tpu.memory_space<vmem>>)
        tpu.yield
      }) : () -> ()
      %scan3A = arith.constant 0 : i32
      %scan3A_2 = arith.constant 0 : i32
      %scan3A_3 = arith.constant 256 : i32
      %scan3A_4 = arith.addi %scan3A_2, %scan3A_3 : i32
      %scan3A_5 = arith.constant 1 : i32
      %scan3A_6 = scf.for %scan3A_14 = %scan3A_2 to %scan3A_4 step %scan3A_5 iter_args(%scan3A_15 = %scan3A) -> (i32)  : i32 {
        %mul3A = arith.constant 16 : i32
        %mul3A_16 = arith.muli %scan3A_14, %mul3A : i32
        %get3A = arith.index_cast %mul3A_16 : i32 to index
        %get3A_17 = tpu.vector_load %arg7[%get3A] {strides = array<i32>} : memref<4096xi32, #tpu.memory_space<vmem>>, vector<16xi32>,
        %eq3A_18 = vector.broadcast %arg1 : i32 to vector<16xi32>
        %eq3A_19 = arith.cmpi eq, %get3A_17, %eq3A_18 : vector<16xi32>
        %jit3A = arith.constant 1 : i32
        %jit3A_20 = arith.constant 0 : i32
        %broadcast_in_dim3A = vector.broadcast %jit3A : i32 to vector<16xi32>
        %broadcast_in_dim3A_21 = vector.broadcast %jit3A_20 : i32 to vector<16xi32>
        %select_n3A = arith.select %eq3A_19, %broadcast_in_dim3A, %broadcast_in_dim3A_21 : vector<16xi1>, vector<16xi32>
        %cumsum3A = arith.constant true
        %cumsum3A_22 = vector.broadcast %cumsum3A : i1 to vector<16xi1>
        %cumsum3A_23 = tpu.scan <sum>, %select_n3A masked %cumsum3A_22 : vector<16xi32>, vector<16xi1> -> vector<16xi32>
        %sub3A = arith.subi %cumsum3A_23, %select_n3A : vector<16xi32>
        %add3A = vector.broadcast %scan3A_15 : i32 to vector<16xi32>
        %add3A_24 = arith.addi %sub3A, %add3A : vector<16xi32>
        %lt3A = arith.constant 320 : i32
        %lt3A_25 = vector.broadcast %lt3A : i32 to vector<16xi32>
        %lt3A_26 = arith.cmpi slt, %add3A_24, %lt3A_25 : vector<16xi32>
        %and3A = arith.andi %eq3A_19, %lt3A_26 : vector<16xi1>
        %mul3A_27 = arith.constant 16 : i32
        %mul3A_28 = arith.muli %scan3A_14, %mul3A_27 : i32
        %get3A_29 = arith.index_cast %mul3A_28 : i32 to index
        %get3A_30 = tpu.vector_load %arg8[%get3A_29] {strides = array<i32>} : memref<4096xf32, #tpu.memory_space<vmem>>, vector<16xf32>,
        %jit3A_31 = arith.constant 0.000000e+00 : f32
        %broadcast_in_dim3A_32 = vector.broadcast %jit3A_31 : f32 to vector<16xf32>
        %select_n3A_33 = arith.select %and3A, %get3A_30, %broadcast_in_dim3A_32 : vector<16xi1>, vector<16xf32>
        %mul3A_34 = arith.constant 16 : i32
        %mul3A_35 = arith.muli %scan3A_14, %mul3A_34 : i32
        %swap3A = arith.index_cast %mul3A_35 : i32 to index
        %swap3A_36 = tpu.vector_load %arg10[%swap3A] {strides = array<i32>} : memref<4096xf32, #tpu.memory_space<vmem>>, vector<16xf32>,
        tpu.vector_store %arg10[%swap3A], %select_n3A_33 {strides = array<i32>} : memref<4096xf32, #tpu.memory_space<vmem>>, vector<16xf32>,
        %reduce_max3A = arith.constant true
        %reduce_max3A_37 = vector.broadcast %reduce_max3A : i1 to vector<16xi1>
        %reduce_max3A_38 = arith.constant -2147483648 : i32
        %reduce_max3A_39 = vector.broadcast %reduce_max3A_38 : i32 to vector<16xi32>
        %reduce_max3A_40 = arith.xori %cumsum3A_23, %reduce_max3A_39 : vector<16xi32>
        %reduce_max3A_41 = tpu.scan <max>, %reduce_max3A_40 masked %reduce_max3A_37 : vector<16xi32>, vector<16xi1> -> vector<16xi32>
        %reduce_max3A_42 = arith.xori %reduce_max3A_41, %reduce_max3A_39 : vector<16xi32>
        %reduce_max3A_43 = vector.extract %reduce_max3A_42[15] : i32 from vector<16xi32>
        %add3A_44 = arith.addi %scan3A_15, %reduce_max3A_43 : i32
        scf.yield %add3A_44 : i32
      }
      %scan3A_7 = arith.constant 256 : i32
      "tpu.region"() ({
        %run_scoped3A = tpu.sem_alloc : memref<!tpu.dma_semaphore, #tpu.memory_space<semaphore_mem>>
        tpu.enqueue_dma source(%arg3 : memref<4096xi32, #tpu.memory_space<hbm>>) target(%arg7 : memref<4096xi32, #tpu.memory_space<vmem>>) target_semaphore(%run_scoped3A : memref<!tpu.dma_semaphore, #tpu.memory_space<semaphore_mem>>)
        tpu.wait_dma2 semaphore(%run_scoped3A : memref<!tpu.dma_semaphore, #tpu.memory_space<semaphore_mem>>) src(%arg3 : memref<4096xi32, #tpu.memory_space<hbm>>) dst(%arg7 : memref<4096xi32, #tpu.memory_space<vmem>>)
        tpu.yield
      }) : () -> ()
      %scan3A_8 = arith.constant 0 : i32
      %scan3A_9 = arith.constant 256 : i32
      %scan3A_10 = arith.addi %scan3A_8, %scan3A_9 : i32
      %scan3A_11 = arith.constant 1 : i32
      %scan3A_12 = scf.for %scan3A_14 = %scan3A_8 to %scan3A_10 step %scan3A_11 iter_args(%scan3A_15 = %scan3A_6) -> (i32)  : i32 {
        %mul3A = arith.constant 16 : i32
        %mul3A_16 = arith.muli %scan3A_14, %mul3A : i32
        %get3A = arith.index_cast %mul3A_16 : i32 to index
        %get3A_17 = tpu.vector_load %arg7[%get3A] {strides = array<i32>} : memref<4096xi32, #tpu.memory_space<vmem>>, vector<16xi32>,
        %eq3A_18 = vector.broadcast %arg1 : i32 to vector<16xi32>
        %eq3A_19 = arith.cmpi eq, %get3A_17, %eq3A_18 : vector<16xi32>
        %mul3A_20 = arith.constant 16 : i32
        %mul3A_21 = arith.muli %scan3A_14, %mul3A_20 : i32
        %get3A_22 = arith.index_cast %mul3A_21 : i32 to index
        %get3A_23 = tpu.vector_load %arg9[%get3A_22] {strides = array<i32>} : memref<4096xi32, #tpu.memory_space<vmem>>, vector<16xi32>,
        %ne3A = arith.constant 0 : i32
        %ne3A_24 = vector.broadcast %ne3A : i32 to vector<16xi32>
        %ne3A_25 = arith.cmpi ne, %get3A_23, %ne3A_24 : vector<16xi32>
        %and3A = arith.andi %eq3A_19, %ne3A_25 : vector<16xi1>
        %jit3A = arith.constant 1 : i32
        %jit3A_26 = arith.constant 0 : i32
        %broadcast_in_dim3A = vector.broadcast %jit3A : i32 to vector<16xi32>
        %broadcast_in_dim3A_27 = vector.broadcast %jit3A_26 : i32 to vector<16xi32>
        %select_n3A = arith.select %and3A, %broadcast_in_dim3A, %broadcast_in_dim3A_27 : vector<16xi1>, vector<16xi32>
        %cumsum3A = arith.constant true
        %cumsum3A_28 = vector.broadcast %cumsum3A : i1 to vector<16xi1>
        %cumsum3A_29 = tpu.scan <sum>, %select_n3A masked %cumsum3A_28 : vector<16xi32>, vector<16xi1> -> vector<16xi32>
        %sub3A = arith.subi %cumsum3A_29, %select_n3A : vector<16xi32>
        %add3A = vector.broadcast %scan3A_15 : i32 to vector<16xi32>
        %add3A_30 = arith.addi %sub3A, %add3A : vector<16xi32>
        %lt3A = arith.constant 320 : i32
        %lt3A_31 = vector.broadcast %lt3A : i32 to vector<16xi32>
        %lt3A_32 = arith.cmpi slt, %add3A_30, %lt3A_31 : vector<16xi32>
        %and3A_33 = arith.andi %and3A, %lt3A_32 : vector<16xi1>
        %mul3A_34 = arith.constant 16 : i32
        %mul3A_35 = arith.muli %scan3A_14, %mul3A_34 : i32
        %get3A_36 = arith.index_cast %mul3A_35 : i32 to index
        %get3A_37 = tpu.vector_load %arg8[%get3A_36] {strides = array<i32>} : memref<4096xf32, #tpu.memory_space<vmem>>, vector<16xf32>,
        %mul3A_38 = arith.constant 16 : i32
        %mul3A_39 = arith.muli %scan3A_14, %mul3A_38 : i32
        %get3A_40 = arith.index_cast %mul3A_39 : i32 to index
        %get3A_41 = tpu.vector_load %arg10[%get3A_40] {strides = array<i32>} : memref<4096xf32, #tpu.memory_space<vmem>>, vector<16xf32>,
        %select_n3A_42 = arith.select %and3A_33, %get3A_37, %get3A_41 : vector<16xi1>, vector<16xf32>
        %mul3A_43 = arith.constant 16 : i32
        %mul3A_44 = arith.muli %scan3A_14, %mul3A_43 : i32
        %swap3A = arith.index_cast %mul3A_44 : i32 to index
        %swap3A_45 = tpu.vector_load %arg10[%swap3A] {strides = array<i32>} : memref<4096xf32, #tpu.memory_space<vmem>>, vector<16xf32>,
        tpu.vector_store %arg10[%swap3A], %select_n3A_42 {strides = array<i32>} : memref<4096xf32, #tpu.memory_space<vmem>>, vector<16xf32>,
        %reduce_max3A = arith.constant true
        %reduce_max3A_46 = vector.broadcast %reduce_max3A : i1 to vector<16xi1>
        %reduce_max3A_47 = arith.constant -2147483648 : i32
        %reduce_max3A_48 = vector.broadcast %reduce_max3A_47 : i32 to vector<16xi32>
        %reduce_max3A_49 = arith.xori %cumsum3A_29, %reduce_max3A_48 : vector<16xi32>
        %reduce_max3A_50 = tpu.scan <max>, %reduce_max3A_49 masked %reduce_max3A_46 : vector<16xi32>, vector<16xi1> -> vector<16xi32>
        %reduce_max3A_51 = arith.xori %reduce_max3A_50, %reduce_max3A_48 : vector<16xi32>
        %reduce_max3A_52 = vector.extract %reduce_max3A_51[15] : i32 from vector<16xi32>
        %add3A_53 = arith.addi %scan3A_15, %reduce_max3A_52 : i32
        scf.yield %add3A_53 : i32
      }
      %scan3A_13 = arith.constant 256 : i32
      "tpu.region"() ({
        %run_scoped3A = tpu.sem_alloc : memref<!tpu.dma_semaphore, #tpu.memory_space<semaphore_mem>>
        %dma_start3A = arith.constant 0 : i32
        %dma_start3A_14 = tpu.memref_slice %arg6[%arg1, %dma_start3A] : memref<16x4096xf32, #tpu.memory_space<hbm>> -> memref<1x4096xf32, #tpu.memory_space<hbm>>
        %dma_start3A_15 = tpu.memref_squeeze %dma_start3A_14 : memref<1x4096xf32, #tpu.memory_space<hbm>> -> memref<4096xf32, #tpu.memory_space<hbm>>
        %dma_start3A_16 = arith.constant 0 : i32
        %dma_start3A_17 = tpu.memref_slice %arg6[%arg1, %dma_start3A_16] : memref<16x4096xf32, #tpu.memory_space<hbm>> -> memref<1x4096xf32, #tpu.memory_space<hbm>>
        %dma_start3A_18 = tpu.memref_squeeze %dma_start3A_17 : memref<1x4096xf32, #tpu.memory_space<hbm>> -> memref<4096xf32, #tpu.memory_space<hbm>>
        tpu.enqueue_dma source(%arg10 : memref<4096xf32, #tpu.memory_space<vmem>>) target(%dma_start3A_18 : memref<4096xf32, #tpu.memory_space<hbm>>) target_semaphore(%run_scoped3A : memref<!tpu.dma_semaphore, #tpu.memory_space<semaphore_mem>>)
        %dma_wait3A = arith.constant 0 : i32
        %dma_wait3A_19 = tpu.memref_slice %arg6[%arg1, %dma_wait3A] : memref<16x4096xf32, #tpu.memory_space<hbm>> -> memref<1x4096xf32, #tpu.memory_space<hbm>>
        %dma_wait3A_20 = tpu.memref_squeeze %dma_wait3A_19 : memref<1x4096xf32, #tpu.memory_space<hbm>> -> memref<4096xf32, #tpu.memory_space<hbm>>
        %dma_wait3A_21 = arith.constant 0 : i32
        %dma_wait3A_22 = tpu.memref_slice %arg6[%arg1, %dma_wait3A_21] : memref<16x4096xf32, #tpu.memory_space<hbm>> -> memref<1x4096xf32, #tpu.memory_space<hbm>>
        %dma_wait3A_23 = tpu.memref_squeeze %dma_wait3A_22 : memref<1x4096xf32, #tpu.memory_space<hbm>> -> memref<4096xf32, #tpu.memory_space<hbm>>
        tpu.wait_dma2 semaphore(%run_scoped3A : memref<!tpu.dma_semaphore, #tpu.memory_space<semaphore_mem>>) src(%arg10 : memref<4096xf32, #tpu.memory_space<vmem>>) dst(%dma_wait3A_23 : memref<4096xf32, #tpu.memory_space<hbm>>)
        tpu.yield
      }) : () -> ()
    } else {
    }
    return
  }
}

module attributes {stable_mosaic.version = 14 : i64} {
  func.func @_router_body(%arg0: i32, %arg1: memref<512x2048xf32, #tpu.memory_space<vmem>>, %arg2: memref<2048x16xf32, #tpu.memory_space<vmem>>, %arg3: memref<512xf32, #tpu.memory_space<vmem>>, %arg4: memref<512xi32, #tpu.memory_space<vmem>>, %arg5: memref<512xi32, #tpu.memory_space<vmem>>, %arg6: memref<512xf32, #tpu.memory_space<vmem>>, %arg7: memref<512xi32, #tpu.memory_space<vmem>>) attributes {dimension_semantics = [#tpu.dimension_semantics<arbitrary>], iteration_bounds = array<i64: 8>, scalar_prefetch = 0 : i64, scratch_operands = 0 : i64, tpu.core_type = #tpu.core_type<tc>, window_params = [{transform_indices = @transform_0, window_bounds = array<i64: 512, 2048>}, {pipeline_mode = #tpu.pipeline_mode<synchronous>, transform_indices = @transform_1, window_bounds = array<i64: 2048, 16>}, {transform_indices = @transform_2, window_bounds = array<i64: 512>}, {transform_indices = @transform_3, window_bounds = array<i64: 512>}, {transform_indices = @transform_4, window_bounds = array<i64: 512>}, {transform_indices = @transform_5, window_bounds = array<i64: 512>}, {transform_indices = @transform_6, window_bounds = array<i64: 512>}]} {
    %get3A = arith.constant 0 : index
    %get3A_0 = arith.constant 0 : index
    %get3A_1 = vector.load %arg1[%get3A, %get3A_0] : memref<512x2048xf32, #tpu.memory_space<vmem>>, vector<512x2048xf32>
    %get3A_2 = arith.constant 0 : index
    %get3A_3 = arith.constant 0 : index
    %get3A_4 = vector.load %arg2[%get3A_2, %get3A_3] : memref<2048x16xf32, #tpu.memory_space<vmem>>, vector<2048x16xf32>
    %dot_general3A = arith.constant dense<0.000000e+00> : vector<512x16xf32>
    %dot_general3A_5 = tpu.matmul %get3A_1, %get3A_4, %dot_general3A {dimension_numbers = #tpu.dot_dimension_numbers<[1], [0], [0], [1], [0, 0, 1, 1], [], []>, transpose_lhs_hint = false} : vector<512x2048xf32>, vector<2048x16xf32>, vector<512x16xf32> -> vector<512x16xf32>
    %iota3A = tpu.iota {dimensions = array<i32: 1>} : vector<512x16xi32>
    %reduce_max3A = arith.constant dense<0xFF800000> : vector<512xf32>
    %reduce_max3A_6 = vector.multi_reduction <maximumf>, %dot_general3A_5, %reduce_max3A [1] : vector<512x16xf32> to vector<512xf32>
    %broadcast_in_dim3A = vector.shape_cast %reduce_max3A_6 : vector<512xf32> to vector<512x1xf32>
    %eq3A = vector.broadcast %broadcast_in_dim3A : vector<512x1xf32> to vector<512x16xf32>
    %eq3A_7 = arith.cmpf oeq, %dot_general3A_5, %eq3A : vector<512x16xf32>
    %jit3A = arith.constant 16 : i32
    %broadcast_in_dim3A_8 = vector.broadcast %jit3A : i32 to vector<512x16xi32>
    %select_n3A = arith.select %eq3A_7, %iota3A, %broadcast_in_dim3A_8 : vector<512x16xi1>, vector<512x16xi32>
    %reduce_min3A = arith.constant dense<2147483647> : vector<512xi32>
    %reduce_min3A_9 = vector.multi_reduction <minsi>, %select_n3A, %reduce_min3A [1] : vector<512x16xi32> to vector<512xi32>
    %broadcast_in_dim3A_10 = vector.shape_cast %reduce_min3A_9 : vector<512xi32> to vector<512x1xi32>
    %eq3A_11 = vector.broadcast %broadcast_in_dim3A_10 : vector<512x1xi32> to vector<512x16xi32>
    %eq3A_12 = arith.cmpi eq, %iota3A, %eq3A_11 : vector<512x16xi32>
    %jit3A_13 = arith.constant 0xFF800000 : f32
    %broadcast_in_dim3A_14 = vector.broadcast %jit3A_13 : f32 to vector<512x16xf32>
    %select_n3A_15 = arith.select %eq3A_12, %broadcast_in_dim3A_14, %dot_general3A_5 : vector<512x16xi1>, vector<512x16xf32>
    %reduce_max3A_16 = arith.constant dense<0xFF800000> : vector<512xf32>
    %reduce_max3A_17 = vector.multi_reduction <maximumf>, %select_n3A_15, %reduce_max3A_16 [1] : vector<512x16xf32> to vector<512xf32>
    %broadcast_in_dim3A_18 = vector.shape_cast %reduce_max3A_17 : vector<512xf32> to vector<512x1xf32>
    %eq3A_19 = vector.broadcast %broadcast_in_dim3A_18 : vector<512x1xf32> to vector<512x16xf32>
    %eq3A_20 = arith.cmpf oeq, %select_n3A_15, %eq3A_19 : vector<512x16xf32>
    %jit3A_21 = arith.constant 16 : i32
    %broadcast_in_dim3A_22 = vector.broadcast %jit3A_21 : i32 to vector<512x16xi32>
    %select_n3A_23 = arith.select %eq3A_20, %iota3A, %broadcast_in_dim3A_22 : vector<512x16xi1>, vector<512x16xi32>
    %reduce_min3A_24 = arith.constant dense<2147483647> : vector<512xi32>
    %reduce_min3A_25 = vector.multi_reduction <minsi>, %select_n3A_23, %reduce_min3A_24 [1] : vector<512x16xi32> to vector<512xi32>
    %squeeze3A = vector.shape_cast %broadcast_in_dim3A_18 : vector<512x1xf32> to vector<512xf32>
    %squeeze3A_26 = vector.shape_cast %broadcast_in_dim3A : vector<512x1xf32> to vector<512xf32>
    %sub3A = arith.subf %squeeze3A, %squeeze3A_26 : vector<512xf32>
    %exp3A = math.exp %sub3A : vector<512xf32>
    %add3A = arith.constant 1.000000e+00 : f32
    %add3A_27 = vector.broadcast %add3A : f32 to vector<512xf32>
    %add3A_28 = arith.addf %add3A_27, %exp3A : vector<512xf32>
    %div3A = arith.constant 1.000000e+00 : f32
    %div3A_29 = vector.broadcast %div3A : f32 to vector<512xf32>
    %div3A_30 = arith.divf %div3A_29, %add3A_28 : vector<512xf32>
    %swap3A = arith.constant 0 : index
    %swap3A_31 = vector.load %arg4[%swap3A] : memref<512xi32, #tpu.memory_space<vmem>>, vector<512xi32>
    tpu.vector_store %arg4[%swap3A], %reduce_min3A_9 {strides = array<i32>} : memref<512xi32, #tpu.memory_space<vmem>>, vector<512xi32>,
    %swap3A_32 = arith.constant 0 : index
    %swap3A_33 = vector.load %arg5[%swap3A_32] : memref<512xi32, #tpu.memory_space<vmem>>, vector<512xi32>
    tpu.vector_store %arg5[%swap3A_32], %reduce_min3A_25 {strides = array<i32>} : memref<512xi32, #tpu.memory_space<vmem>>, vector<512xi32>,
    %swap3A_34 = arith.constant 0 : index
    %swap3A_35 = vector.load %arg6[%swap3A_34] : memref<512xf32, #tpu.memory_space<vmem>>, vector<512xf32>
    tpu.vector_store %arg6[%swap3A_34], %div3A_30 {strides = array<i32>} : memref<512xf32, #tpu.memory_space<vmem>>, vector<512xf32>,
    %get3A_36 = arith.constant 0 : index
    %get3A_37 = vector.load %arg3[%get3A_36] : memref<512xf32, #tpu.memory_space<vmem>>, vector<512xf32>
    %mul3A = arith.constant 2.000000e+00 : f32
    %mul3A_38 = vector.broadcast %mul3A : f32 to vector<512xf32>
    %mul3A_39 = arith.mulf %mul3A_38, %div3A_30 : vector<512xf32>
    %lt3A = arith.cmpf olt, %get3A_37, %mul3A_39 : vector<512xf32>
    %convert_element_type3A = arith.extui %lt3A : vector<512xi1> to vector<512xi32>
    %swap3A_40 = arith.constant 0 : index
    %swap3A_41 = vector.load %arg7[%swap3A_40] : memref<512xi32, #tpu.memory_space<vmem>>, vector<512xi32>
    tpu.vector_store %arg7[%swap3A_40], %convert_element_type3A {strides = array<i32>} : memref<512xi32, #tpu.memory_space<vmem>>, vector<512xi32>,
    return
  }
  func.func @transform_0(%arg0: i32) -> (i32, i32) {
    %c0_i32 = arith.constant 0 : i32
    %c0_i32_0 = arith.constant 0 : i32
    return %arg0, %c0_i32 : i32, i32
  }
  func.func @transform_1(%arg0: i32) -> (i32, i32) {
    %c0_i32 = arith.constant 0 : i32
    %c0_i32_0 = arith.constant 0 : i32
    %c0_i32_1 = arith.constant 0 : i32
    return %c0_i32, %c0_i32_0 : i32, i32
  }
  func.func @transform_2(%arg0: i32) -> i32 {
    %c0_i32 = arith.constant 0 : i32
    return %arg0 : i32
  }
  func.func @transform_3(%arg0: i32) -> i32 {
    %c0_i32 = arith.constant 0 : i32
    return %arg0 : i32
  }
  func.func @transform_4(%arg0: i32) -> i32 {
    %c0_i32 = arith.constant 0 : i32
    return %arg0 : i32
  }
  func.func @transform_5(%arg0: i32) -> i32 {
    %c0_i32 = arith.constant 0 : i32
    return %arg0 : i32
  }
  func.func @transform_6(%arg0: i32) -> i32 {
    %c0_i32 = arith.constant 0 : i32
    return %arg0 : i32
  }
}

</mosaic_0001>

<sc_bundles>
// kernel: kernel.4.cloned.1.call-start
scs
__scs_entry_jumppad:
0x0: {  	(pc) =	sbr.rel $0x88, $3  }
0x1: {  	(tag) =	ssettag $0x0;
	lr =	simm.s32 $0x1  }
0x2: {  	[smem:$0x3F9F] =	sst lr;
	_ =	strace $0xD0000000  }
0x3: {  	_ = 	snop  }
0x4: {  	_ = 	snop  }
0x5: {  	_ = 	snop  }
0x6: {  	_ = 	snop  }
0x7: {  	_ = 	snop  }
__scs_overlays_trampoline_lowered:
0x8: {  	[smem:$0x3FAE] =	sst s0  }
0x9: {  	[smem:$0x3FAF] =	sst s1  }
0xa: {  	[smem:$0x3FB0] =	sst s2  }
0xb: {  	[smem:$0x3FB1] =	sst s3  }
0xc: {  	[smem:$0x3FB2] =	sst s4  }
0xd: {  	[smem:$0x3FB3] =	sst s5  }
0xe: {  	[smem:$0x3FB4] =	sst s6  }
0xf: {  	[smem:$0x3FB5] =	sst s7  }
0x10: {  	[smem:$0x3FB6] =	sst s8  }
0x11: {  	[smem:$0x3FB7] =	sst s9;
	s0 =	simm.s32 @!p0 $0x0  }
0x12: {  	s1 =	sld [smem:$0x3F9D];
	s0 =	simm.s32 @p0 $0x1  }
0x13: {  	[smem:$0x3FB8] =	sst s0;
	s0 =	simm.s32 @!p1 $0x0  }
0x14: {  	s2 =	sld [smem:$0x3F9C];
	s0 =	simm.s32 @p1 $0x1  }
0x15: {  	[smem:$0x3FB9] =	sst s0;
	s0 =	simm.s32 @!p2 $0x0  }
0x16: {  	s3 =	sld [smem:$0x3FDB];
	s0 =	simm.s32 @p2 $0x1  }
0x17: {  	s4 =	simm.s32 $0x1BF5;
	[smem:$0x3FBB] =	sst s0  }
0x18: {  	s0 =	sld [smem:$0x3F9E];
	_ =	swait.ge [sflag:s4], $0x0  }
0x19: {  	s7 =	sld [smem:$0x3F9F]  }
0x1a: {  	s8 =	sadd.s32 $0xFFFFE003, lr  }
0x1b: {  	s9 =	sadd.s32 $0xFFFFFEF7, lr;
	s5 =	simm.s32 $0xFFFFFFFF;
	p2 =	slt.u32 s8, $0xFFFFF086  }
0x1c: {  	p1 =	slt.u32 s9, $0xF7A;
	s5 =	simm.s32 @!p2 $0x0  }
0x1d: {  	s5 =	simm.s32 @p1 $0x1;
	p0 =	seq.s32 s7, s2  }
0x1e: {  	s7 =	smul.u32 @!p0 $0xF7A, s2;
	p2 =	seq.s32 @!p0 s5, $0x0  }
0x1f: {  	s9 =	smul.u32 $0xF7A, s1;
	s8 =	simm.s32 @!p0 $0x1BF5;
	p2 =	por !p2, p0  }
0x20: {  	[sflag:s8] =	ssyncset.s32 @!p0 $0xFFFFF086;
	s6 =	sadd.s32 @!p0 s3, s7;
	s7 =	simm.s32 @!p0 $0x108  }
0x21: {  	s3 =	sadd.s32 s3, s9;
	s6 =	sadd.s32 @!p0 $0x88, s6;
	s7 =	simm.s32 @p2 $0x1082  }
0x22: {  	[simem:s7], [sflag:s8] =	dma.local @!p0 [hbm:s6], $0xF7A  }
0x23: {  	s9 =	sor.u32 $0xD0000000, s2;
	s6 =	simm.s32 $0x108;
	_ =	swait.ge @!p0 [sflag:s8], $0x0  }
0x24: {  	s3 =	sadd.s32 $0x88, s3;
	s6 =	simm.s32 @!p1 $0x1082;
	[sflag:s4] =	ssyncset.s32 $0xFFFFF086  }
0x25: {  	[simem:s6], [sflag:s4] =	dma.local [hbm:s3], $0xF7A  }
0x26: {  	[smem:$0x3F9F] =	sst s1;
	(tag) =	ssettag s2;
	_ =	strace s9  }
0x27: {  	s1 =	sld [smem:$0x3FAF]  }
0x28: {  	s2 =	sld [smem:$0x3FB0]  }
0x29: {  	s4 =	sld [smem:$0x3FB2]  }
0x2a: {  	p0 =	seq.s32 s5, $0x0;
	s5 =	sld [smem:$0x3FB3]  }
0x2b: {  	s6 =	sld [smem:$0x3FB4]  }
0x2c: {  	s7 =	sld [smem:$0x3FB5]  }
0x2d: {  	s3 =	simm.s32 $0x108;
	s8 =	sld [smem:$0x3FB6]  }
0x2e: {  	s3 =	simm.s32 @!p0 $0x1082;
	s9 =	sld [smem:$0x3FB7]  }
0x2f: {  	lr =	sadd.s32 s0, s3;
	s0 =	sld [smem:$0x3FAE]  }
0x30: {  	s3 =	sld [smem:$0x3FB1]  }
0x31: {  	[smem:$0x3FBA] =	sst s10  }
0x32: {  	s10 =	sld [smem:$0x3FB8];
	_ =	sdelay $0x3  }
0x33: {  	p0 =	seq.s32 s10, $0x1;
	s10 =	sld [smem:$0x3FBA];
	_ =	sdelay $0x3  }
0x34: {  	[smem:$0x3FBA] =	sst s10  }
0x35: {  	s10 =	sld [smem:$0x3FB9];
	_ =	sdelay $0x3  }
0x36: {  	p1 =	seq.s32 s10, $0x1;
	s10 =	sld [smem:$0x3FBA];
	_ =	sdelay $0x3  }
0x37: {  	[smem:$0x3FBA] =	sst s10  }
0x38: {  	s10 =	sld [smem:$0x3FBB]  }
0x39: {  	_ = 	snop;
	(pc) =	sbr.ind lr, $3  }
0x3a: {  	_ = 	snop  }
0x3b: {  	_ = 	snop  }
0x3c: {  	p2 =	seq.s32 s10, $0x1;
	s10 =	sld [smem:$0x3FBA]  }
0x3d: {  	_ =	shalt  }
0x3e: {  	_ =	shalt  }
0x3f: {  	_ =	shalt  }
0x40: {  	_ =	shalt  }
0x41: {  	_ =	shalt  }
0x42: {  	_ =	shalt  }
0x43: {  	_ =	shalt  }
0x44: {  	_ =	shalt  }
0x45: {  	_ =	shalt  }
0x46: {  	_ =	shalt  }
0x47: {  	_ =	shalt  }
0x48: {  	_ =	shalt  }
0x49: {  	_ =	shalt  }
0x4a: {  	_ =	shalt  }
0x4b: {  	_ =	shalt  }
0x4c: {  	_ =	shalt  }
0x4d: {  	_ =	shalt  }
0x4e: {  	_ =	shalt  }
0x4f: {  	_ =	shalt  }
0x50: {  	_ =	shalt  }
0x51: {  	_ =	shalt  }
0x52: {  	_ =	shalt  }
0x53: {  	_ =	shalt  }
0x54: {  	_ =	shalt  }
0x55: {  	_ =	shalt  }
0x56: {  	_ =	shalt  }
0x57: {  	_ =	shalt  }
0x58: {  	_ =	shalt  }
0x59: {  	_ =	shalt  }
0x5a: {  	_ =	shalt  }
0x5b: {  	_ =	shalt  }
0x5c: {  	_ =	shalt  }
0x5d: {  	_ =	shalt  }
0x5e: {  	_ =	shalt  }
0x5f: {  	_ =	shalt  }
0x60: {  	_ =	shalt  }
0x61: {  	_ =	shalt  }
0x62: {  	_ =	shalt  }
0x63: {  	_ =	shalt  }
0x64: {  	_ =	shalt  }
0x65: {  	_ =	shalt  }
0x66: {  	_ =	shalt  }
0x67: {  	_ =	shalt  }
0x68: {  	_ =	shalt  }
0x69: {  	_ =	shalt  }
0x6a: {  	_ =	shalt  }
0x6b: {  	_ =	shalt  }
0x6c: {  	_ =	shalt  }
0x6d: {  	_ =	shalt  }
0x6e: {  	_ =	shalt  }
0x6f: {  	_ =	shalt  }
0x70: {  	_ =	shalt  }
0x71: {  	_ =	shalt  }
0x72: {  	_ =	shalt  }
0x73: {  	_ =	shalt  }
0x74: {  	_ =	shalt  }
0x75: {  	_ =	shalt  }
0x76: {  	_ =	shalt  }
0x77: {  	_ =	shalt  }
0x78: {  	_ =	shalt  }
0x79: {  	_ =	shalt  }
0x7a: {  	_ =	shalt  }
0x7b: {  	_ =	shalt  }
0x7c: {  	_ =	shalt  }
0x7d: {  	_ =	shalt  }
0x7e: {  	_ =	shalt  }
0x7f: {  	_ =	shalt  }
0x80: {  	_ =	shalt  }
0x81: {  	_ =	shalt  }
0x82: {  	_ =	shalt  }
0x83: {  	_ =	shalt  }
0x84: {  	_ =	shalt  }
0x85: {  	_ =	shalt  }
0x86: {  	_ =	shalt  }
0x87: {  	_ =	shalt  }
.Lfunc_end0:
.L_simem_size_0:
called_computation_lowered:
.L_overlay_start_0:
0x88: {  	s2 =	sld [smem:$0x3FD9]  }
0x89: {  	s3 =	sld [smem:$0x3FFE];
	_ =	sdelay $0x1  }
0x8a: {  	s1 =	srdreg.scid  }
0x8b: {  	s0 =	sand.u32 $0x1, s1  }
0x8c: {  	s17 =	sshll.u32 s0, $0xA;
	s2 =	sadd.s32 s3, s2  }
0x8d: {  	s2 =	sadd.s32 s2, s17  }
0x8e: {  	[smem:$0x3FC6] =	sst s2  }
0x8f: {  	_ = 	snop  }
0x90: {  	s2 =	sld [smem:$0x3FD0];
	(tm) =	ssettm $0x1  }
0x91: {  	s18 =	sld [smem:$0x3FFB];
	_ =	sdelay $0x3  }
0x92: {  	_ =	strace s18  }
0x93: {  	s3 =	sld [smem:$0x3FFC];
	_ =	sdelay $0x3  }
0x94: {  	_ =	strace s3  }
0x95: {  	s3 =	sld [smem:$0x3FFD];
	_ =	sdelay $0x3  }
0x96: {  	_ =	strace s3  }
0x97: {  	_ =	strace $0x8FFFFFFF  }
0x98: {  	s19 =	sld [smem:$0x3FDB];
	_ =	sdelay $0x1  }
0x99: {  	s4 =	simm.s32 $_scs_section_size  }
0x9a: {  	s5 =	simm.s32 $_size__tile_overlayer_lowered;
	s6 =	simm.s32 $_tile_overlayer_lowered  }
0x9b: {  	s22 =	simm.s32 $0x1BFF;
	s21 =	sshll.u32 s6, $0x1;
	s3 =	sadd.s32 s4, s19  }
0x9c: {  	s7 =	simm.s32 $0x0;
	s20 =	sshll.u32 s5, $0x1;
	s5 =	sadd.s32 s21, s3  }
0x9d: {  	[timem:s7], [sflag:s22] =	dma.local [hbm:s5], s20  }
0x9e: {  	_ =	swait.ge [sflag:s22], s20  }
0x9f: {  	s4 =	ssub.s32 $0x0, s20;
	[sflag:s22] =	ssyncset.done $0x0  }
0xa0: {  	[sflag:s22] =	ssyncadd.s32 s4;
	_ =	sdelay $0x1  }
0xa1: {  	s23 =	simm.s32 $0x1B8B  }
0xa2: {  	_ =	swait.ge [sflag:s23], $0x1  }
0xa3: {  	[sflag:s23] =	ssyncset.done $0x0  }
0xa4: {  	s25 =	simm.s32 $0x1B8E;
	s24 =	sld [smem:$0x3FFE];
	[sflag:s23] =	ssyncadd.s32 $0xFFFFFFFF  }
0xa5: {  	s26 =	simm.s32 $execute0_lowered;
	[smem:$0x3FD2] =	sst s25  }
0xa6: {  	s5 =	sshll.u32 s26, $0x1;
	_ =	strace $0x80000046;
	[dreg:$0x1] =	wrdreg $0xFFFFFFFF  }
0xa7: {  	s28 =	simm.s32 $_size_execute0_lowered;
	s3 =	sadd.s32 s3, s5;
	[dreg:$0x0] =	wrdreg $0x0  }
0xa8: {  	s5 =	sshll.u32 s28, $0x1;
	[dreg:$0x2] =	wrdreg s3  }
0xa9: {  	[dreg:$0x3] =	wrdreg s5  }
0xaa: {  	[dreg:$0x4] =	wrdreg $0xC0  }
0xab: {  	_ =	task [dreg:s7], $0x5FFFF  }
0xac: {  	[dreg:$0x1] =	wrdreg $0xFFFFFFFF  }
0xad: {  	[dreg:$0x0] =	wrdreg $0x60  }
0xae: {  	[dreg:$0x2] =	wrdreg s24  }
0xaf: {  	[dreg:$0x3] =	wrdreg s2  }
0xb0: {  	[dreg:$0x4] =	wrdreg $0x9  }
0xb1: {  	_ =	task.clear_ibuf [dreg:s7], $0x5FFFF;
	_ =	strace $0x90000046  }
0xb2: {  	s29 =	simm.s32 $0x9;
	_ =	strace $0x80000048  }
0xb3: {  	_ =	swait.ge [sflag:s29], $0x1  }
0xb4: {  	[sflag:s29] =	ssyncadd.s32 $0xFFFFFFFF  }
0xb5: {  	_ =	strace $0x90000048  }
0xb6: {  	_ =	sfence  }
0xb7: {  	s30 =	sld [smem:$0x0];
	_ =	sdelay $0x2  }
0xb8: {  	s31 =	sshll.u32 s1, $0xD;
	s1 =	sshrl.u32 s1, $0x2  }
0xb9: {  	s3 =	sand.u32 $0x4000, s31;
	s1 =	sadd.s32 s1, s30  }
0xba: {  	s0 =	sor.u32 s3, s0;
	s1 =	sshll.u32 s1, $0x11  }
0xbb: {  	s0 =	sor.u32 s1, s0  }
0xbc: {  	s0 =	sadd.s32 $0x8F2B, s0  }
0xbd: {  	[sflag:s0] =	ssyncadd.remote.s32 $0x1  }
0xbe: {  	_ =	sfence.sel $0xFFFF  }
0xbf: {  	[dreg:$0x0] =	wrdreg $0xFFFFFFFF;
	(pc) =	sbr.abs _section_cstart, $3  }
0xc0: {  	[dreg:$0x1] =	wrdreg $0xFFFFFFFF  }
0xc1: {  	_ =	task.clear_ibuf [dreg:s7], $0x2FFFF;
	_ =	strace $0x9FFFFFFF  }
0xc2: {  	(tm) =	ssettm $0x7FFFFFFF  }
0xc3: {  	_ =	shalt  }
tec
execute0_lowered:
.L_overlay_start_1:
0x0: {  	(tag) =	ssettag $0x1  }
0x1: {  	s1 =	srdreg.scid  }
0x2: {  	s1 =	sand.u32 $0x1, s1  }
0x3: {  	p0 =	seq.s32 s1, $0x1  }
.Ltmp0:
0x4: {  	_ = 	snop;
	(pc) =	sbr.rel @p0 .LBB2_6-.Ltmp0, $4  }
0x5: {  	s9 =	rddreg [dreg:$0x0]  }
0x6: {  	s2 =	rddreg [dreg:$0x1];
	s8 =	simm.s32 $0x0  }
0x7: {  	[smem:$0x7FF] =	sst s8  }
0x8: {  	s0 =	rddreg [dreg:$0x2];
	_ =	strace $0x80000047;
	s1 =	stileid.u32  }
0x9: {  	s3 =	sadd.s32 $0xE00, s9;
	s29 =	simm.s32 $0x1  }
0xa: {  	[tilespmem:s8], [sflag:$0x1] =	stream.linear.gather [hbm4b:s3+s8], $0x1000, $0x38;
	[tilespmem:$0x4000] =	vst v63  }
0xb: {  	_ =	swait.ge [sflag:s29], $0x1000  }
0xc: {  	[sflag:s29] =	ssyncset.done $0x0  }
0xd: {  	s4 =	sadd.s32 $0x1200, s9;
	s5 =	simm.s32 $0x1000;
	[sflag:s29] =	ssyncadd.s32 $0xFFFFF000  }
0xe: {  	[tilespmem:s5], [sflag:$0x1] =	stream.linear.gather [hbm4b:s4+s8], $0x1000, $0x38;
	[tilespmem:$0x4000] =	vst v63  }
0xf: {  	_ =	swait.ge [sflag:s29], $0x1000  }
0x10: {  	[sflag:s29] =	ssyncset.done $0x0  }
0x11: {  	s30 =	sadd.s32 $0x1400, s9;
	s31 =	simm.s32 $0x2000;
	[sflag:s29] =	ssyncadd.s32 $0xFFFFF000  }
0x12: {  	[tilespmem:s31], [sflag:$0x1] =	stream.linear.gather [hbm4b:s30+s8], $0x1000, $0x38;
	[tilespmem:$0x4000] =	vst v63  }
0x13: {  	_ =	swait.ge [sflag:s29], $0x1000  }
0x14: {  	[sflag:s29] =	ssyncset.done $0x0  }
0x15: {  	s5 =	simm.s32 $0x0;
	[sflag:s29] =	ssyncadd.s32 $0xFFFFF000  }
0x16: {  	v2 =	vld [tilespmem:s5+$0x0];
	_ =	sdelay $0x2  }
0x17: {  	s3 =	simm.s32 $0x10  }
0x18: {  	v0 =	vmov s1;
	v3 =	vld [tilespmem:s3+$0x0]  }
0x19: {  	v1 =	vimm.s32 $0x0;
	vm0 =	veq.s32 v2, v0  }
0x1a: {  	v2 =	vsel vm0, $0x1, v1  }
0x1b: {  	(xrf0) =	vadd.scan.msk.s32 $0xffff, v2;
	_ =	sdelay $0x1  }
0x1c: {  	vm1 =	veq.s32 v3, v0  }
0x1d: {  	s6 =	simm.s32 $0x20;
	v2 =	vsel vm1, $0x1, v1  }
0x1e: {  	v3 =	vld [tilespmem:s6+$0x0];
	(xrf0) =	vadd.scan.msk.s32 $0xffff, v2;
	_ =	sdelay $0x1  }
0x1f: {  	v14, _, _ =	vpop (xrf0)  }
0x20: {  	v2 =	vxor.u32 $0x80000000, v14  }
0x21: {  	s4 =	simm.s32 $0x30;
	(xrf0) =	vmax.scan.msk.u32 $0xffff, v2  }
0x22: {  	vm3 =	veq.s32 v3, v0;
	v3 =	vld [tilespmem:s4+$0x0]  }
0x23: {  	v6, _, _ =	vpop (xrf0);
	v2 =	vsel vm3, $0x1, v1  }
0x24: {  	(xrf0) =	vadd.scan.msk.s32 $0xffff, v2;
	v2 =	vxor.u32 $0x80000000, v6  }
0x25: {  	(xrf0) =	vmax.scan.msk.u32 $0xffff, v2;
	_ =	sdelay $0x1  }
0x26: {  	vm2 =	veq.s32 v3, v0;
	v3, _, _ =	vpop (xrf0)  }
0x27: {  	v2 =	vsel vm2, $0x1, v1;
	(v2sf) =	vpush v3, $0xF;
	_ =	sdelay $0x1  }
0x28: {  	v7, _, _ =	vpop (xrf0)  }
0x29: {  	(xrf0) =	vadd.scan.msk.s32 $0xffff, v2;
	v2, _, _ =	vpop (xrf0)  }
0x2a: {  	s7 =	simm.s32 $0x40;
	(v2sf) =	vpush v2, $0xF  }
0x2b: {  	v13 =	vld [tilespmem:s7+$0x0]  }
0x2c: {  	v12 =	vld [tilespmem:s5+$0x1000];
	vm4 =	vmmov vm0;
	v10 =	vsel vm0, $0xFFFFFFFF, v1;
	v15 =	vxor.u32 $0x80000000, v7  }
0x2d: {  	v9 =	vld [tilespmem:s3+$0x1000];
	v11 =	vsel vm1, $0xFFFFFFFF, v1;
	vm0 =	vmmov vm4;
	vm1 =	vmmov vm1;
	(xrf0) =	vmax.scan.msk.u32 $0xffff, v15  }
0x2e: {  	vm0 =	vmmov vm0;
	vm1 =	vmmov vm1;
	v2 =	vld [tilespmem:s7+$0x1000]  }
0x2f: {  	s10 =	sshll.u32 s1, $0x4;
	v4 =	vld [tilespmem:s4+$0x1000];
	v16 =	vadd.s32 s8, v10;
	vm4 =	vmmov vm0;
	vm0 =	vmmov vm1  }
0x30: {  	s11 =	sshll.u32 s1, $0x9;
	s10 =	sand.u32 $0x70, s10;
	v5 =	vsel vm3, $0xFFFFFFFF, v1;
	vm3 =	vmmov vm3;
	v8 =	vsel vm2, $0xFFFFFFFF, v1;
	v3 =	vld [tilespmem:s6+$0x1000]  }
0x31: {  	s9 =	sadd.s32 $0x1000, s9;
	s11 =	sand.u32 $0x1000, s11;
	s2 =	sadd.s32 s2, s10;
	vm1 =	vmmov vm3;
	vm3 =	vmmov vm2;
	vm2 =	veq.s32 v13, v0  }
0x32: {  	s10 =	simm.s32 $0x50;
	s2 =	sadd.s32 s11, s2;
	s11 =	simm.s32 $0x180;
	v14 =	vadd.s32 v14, v16;
	v10 =	vsel vm2, $0xFFFFFFFF, v1;
	v15 =	vsel vm2, $0x1, v1;
	v13, _, _ =	vpop (xrf0)  }
.LBB2_2:
0x33: {  	p0 =	sne.s32 s11, $0x3FC0;
	v16 =	vld [tilespmem:s10+$0x0];
	(xrf0) =	vadd.scan.msk.s32 $0xffff, v15;
	v15 =	vxor.u32 $0x80000000, v13;
	v17, _, _ =	vpop (xrf0);
	vm5 =	vlt.s32 v14, $0x140;
	v14 =	vmov v2  }
0x34: {  	v2 =	vld [tilespmem:s10+$0x1000];
	(xrf0) =	vmax.scan.msk.u32 $0xffff, v15;
	(v2sf) =	vpush v17, $0xF;
	vm4 =	vmand vm4, vm5;
	v17 =	vmovc v6;
	v6 =	vmov v7  }
.Ltmp1:
0x35: {  	v15 =	vnsel vm4, $0x0, v12;
	s12 =	spop (v2sf);
	v12 =	vmovc v9;
	v9 =	vmovc v3;
	v3 =	vmov v4;
	v4 =	vmov v14;
	(pc) =	sbr.rel @p0 .LBB2_2-.Ltmp1, $4  }
0x36: {  	v7 =	vmovc v13;
	vm4 =	vmmov vm0;
	vm0 =	vmmov vm1;
	vm1 =	vmmov vm3;
	[tilespmem:s5+$0x3000] =	vst v15;
	s8 =	sadd.s32 s12, s8;
	s5 =	smov.u32 s3;
	s3 =	smov.u32 s6  }
0x37: {  	vm3 =	vmmov vm2;
	s6 =	smov.u32 s4;
	s4 =	smov.u32 s7;
	s8 =	sadd.s32 $0x80000000, s8  }
0x38: {  	s7 =	smov.u32 s10;
	vm2 =	veq.s32 v16, v0;
	v14 =	vadd.s32 s8, v11;
	v11 =	vmovc v5;
	v5 =	vmovc v8;
	v8 =	vmov v10  }
0x39: {  	s10 =	sshra.s32 s11, $0x2;
	s11 =	sadd.s32 $0x40, s11;
	v10 =	vsel vm2, $0xFFFFFFFF, v1;
	v15 =	vsel vm2, $0x1, v1;
	v13, _, _ =	vpop (xrf0);
	v14 =	vadd.s32 v17, v14  }
0x3a: {  	v16 =	vld [tilespmem:s10+$0x0];
	(xrf0) =	vadd.scan.msk.s32 $0xffff, v15;
	_ =	sdelay $0x4  }
0x3b: {  	v56 =	vxor.u32 $0x80000000, v13;
	v17, _, _ =	vpop (xrf0);
	vm5 =	veq.s32 v16, v0  }
0x3c: {  	(xrf0) =	vmax.scan.msk.u32 $0xffff, v56;
	v57 =	vsel vm5, $0x1, v1;
	v58, _, _ =	vpop (xrf0)  }
0x3d: {  	(xrf0) =	vadd.scan.msk.s32 $0xffff, v57;
	v59 =	vxor.u32 $0x80000000, v58  }
0x3e: {  	(xrf0) =	vmax.scan.msk.u32 $0xffff, v59  }
0x3f: {  	(v2sf) =	vpush v17, $0xF;
	_ =	sdelay $0x2  }
0x40: {  	v60, _, _ =	vpop (xrf0)  }
0x41: {  	(v2sf) =	vpush v60, $0xF;
	v61, _, _ =	vpop (xrf0)  }
0x42: {  	v62, _, _ =	vpop (xrf0)  }
0x43: {  	s11 =	spop (v2sf);
	v63 =	vxor.u32 $0x80000000, v61;
	(v2sf) =	vpush v62, $0xF  }
0x44: {  	s8 =	sadd.s32 s11, s8;
	(xrf0) =	vmax.scan.msk.u32 $0xffff, v63  }
0x45: {  	s8 =	sadd.s32 $0x80000000, s8  }
0x46: {  	v11 =	vadd.s32 s8, v11  }
0x47: {  	v6 =	vadd.s32 v6, v11  }
0x48: {  	vm6 =	vlt.s32 v14, $0x140  }
0x49: {  	vm4 =	vmand vm4, vm6  }
0x4a: {  	v12 =	vnsel vm4, $0x0, v12;
	vm4 =	vlt.s32 v6, $0x140;
	s23 =	spop (v2sf);
	v6, _, _ =	vpop (xrf0)  }
0x4b: {  	s8 =	sadd.s32 s23, s8;
	(v2sf) =	vpush v6, $0xF  }
0x4c: {  	vm0 =	vmmov vm0;
	s8 =	sadd.s32 $0x80000000, s8;
	s24 =	spop (v2sf)  }
0x4d: {  	vm1 =	vmmov vm1;
	vm3 =	vmmov vm3;
	vm2 =	vmmov vm2;
	s11 =	sadd.s32 s24, s8  }
0x4e: {  	vm2 =	vmmov vm2;
	vm0 =	vmand vm0, vm4;
	v5 =	vadd.s32 s8, v5;
	s25 =	sadd.s32 $0x80000000, s11  }
0x4f: {  	v1 =	vsel vm5, $0xFFFFFFFF, v1;
	v5 =	vadd.s32 v7, v5;
	v7 =	vadd.s32 s25, v8  }
0x50: {  	vm4 =	vlt.s32 v5, $0x140;
	v5 =	vadd.s32 v13, v7;
	v6 =	vnsel vm0, $0x0, v9;
	s26 =	spop (v2sf)  }
0x51: {  	vm0 =	vmmov vm1;
	vm1 =	vmmov vm3;
	vm3 =	vmmov vm5;
	s8 =	sadd.s32 s26, s25  }
0x52: {  	vm0 =	vmand vm0, vm4;
	vm1 =	vmmov vm1;
	vm4 =	vlt.s32 v5, $0x140;
	s8 =	sadd.s32 $0x80000000, s8;
	s28 =	spop (v2sf)  }
0x53: {  	v3 =	vnsel vm0, $0x0, v3;
	vm0 =	vmmov vm2;
	vm1 =	vmand vm1, vm4;
	s11 =	sadd.s32 s28, s8  }
0x54: {  	v5 =	vld [tilespmem:s10+$0x1000];
	vm2 =	vmmov vm3;
	v4 =	vnsel vm1, $0x0, v4;
	v7 =	vadd.s32 s8, v10;
	s11 =	sadd.s32 $0x80000000, s11  }
0x55: {  	[tilespmem:s5+$0x3000] =	vst v12;
	vm0 =	vmmov vm0;
	v7 =	vadd.s32 v58, v7;
	v1 =	vadd.s32 s11, v1  }
0x56: {  	[tilespmem:s3+$0x3000] =	vst v6;
	vm1 =	vmmov vm2;
	vm2 =	vlt.s32 v7, $0x140;
	v1 =	vadd.s32 v61, v1  }
0x57: {  	[tilespmem:s6+$0x3000] =	vst v3;
	vm1 =	vmmov vm1;
	vm0 =	vmand vm0, vm2;
	vm2 =	vlt.s32 v1, $0x140  }
0x58: {  	[tilespmem:s4+$0x3000] =	vst v4;
	v1 =	vnsel vm0, $0x0, v2;
	vm0 =	vmand vm1, vm2  }
0x59: {  	[tilespmem:s7+$0x3000] =	vst v1;
	v1 =	vnsel vm0, $0x0, v5  }
0x5a: {  	s29 =	simm.s32 $0x0;
	s31 =	simm.s32 $0x1;
	s30 =	spop (v2sf);
	[tilespmem:s10+$0x3000] =	vst v1  }
0x5b: {  	[tilespmem:s29], [sflag:$0x1] =	stream.linear.gather [hbm4b:s9+s29], $0x1000, $0x38;
	[tilespmem:$0x4000] =	vst v63  }
0x5c: {  	_ =	swait.ge [sflag:s31], $0x1000  }
0x5d: {  	[sflag:s31] =	ssyncset.done $0x0  }
0x5e: {  	s8 =	simm.s32 $0x0;
	[sflag:s31] =	ssyncadd.s32 $0xFFFFF000  }
0x5f: {  	v1 =	vld [tilespmem:s8+$0x0]  }
0x60: {  	v2 =	vld [tilespmem:s8+$0x2000]  }
0x61: {  	s6 =	simm.s32 $0x10  }
0x62: {  	v3 =	vld [tilespmem:s6+$0x0]  }
0x63: {  	v4 =	vld [tilespmem:s6+$0x2000];
	_ =	sdelay $0x1  }
0x64: {  	vm0 =	veq.s32 v1, v0;
	vm1 =	vne.s32 v2, $0x0  }
0x65: {  	v1 =	vimm.s32 $0x0;
	vm0 =	vmand vm0, vm1  }
0x66: {  	v2 =	vsel vm0, $0x1, v1  }
0x67: {  	s5 =	simm.s32 $0x20;
	vm2 =	vne.s32 v4, $0x0;
	vm1 =	veq.s32 v3, v0;
	(xrf0) =	vadd.scan.msk.s32 $0xffff, v2  }
0x68: {  	v3 =	vld [tilespmem:s5+$0x2000];
	vm1 =	vmand vm1, vm2  }
0x69: {  	v2 =	vld [tilespmem:s5+$0x0];
	v4 =	vsel vm1, $0x1, v1  }
0x6a: {  	(xrf0) =	vadd.scan.msk.s32 $0xffff, v4;
	_ =	sdelay $0x2  }
0x6b: {  	v4, _, _ =	vpop (xrf0)  }
0x6c: {  	vm3 =	vne.s32 v3, $0x0;
	vm2 =	veq.s32 v2, v0;
	v5 =	vxor.u32 $0x80000000, v4  }
0x6d: {  	vm2 =	vmand vm2, vm3;
	(xrf0) =	vmax.scan.msk.u32 $0xffff, v5  }
0x6e: {  	v3, _, _ =	vpop (xrf0);
	v5 =	vsel vm2, $0x1, v1  }
0x6f: {  	s4 =	simm.s32 $0x30;
	(xrf0) =	vadd.scan.msk.s32 $0xffff, v5;
	v5 =	vxor.u32 $0x80000000, v3  }
0x70: {  	v2 =	vld [tilespmem:s4+$0x0];
	(xrf0) =	vmax.scan.msk.u32 $0xffff, v5;
	_ =	sdelay $0x1  }
0x71: {  	v6 =	vld [tilespmem:s4+$0x2000]  }
0x72: {  	v5, _, _ =	vpop (xrf0)  }
0x73: {  	(v2sf) =	vpush v5, $0xF  }
0x74: {  	vm3 =	veq.s32 v2, v0;
	v2, _, _ =	vpop (xrf0)  }
0x75: {  	v5, _, _ =	vpop (xrf0)  }
0x76: {  	s3 =	simm.s32 $0x40;
	vm4 =	vne.s32 v6, $0x0;
	(v2sf) =	vpush v5, $0xF  }
0x77: {  	v7 =	vld [tilespmem:s3+$0x0];
	vm5 =	vmand vm3, vm4  }
0x78: {  	v8 =	vld [tilespmem:s3+$0x2000];
	v6 =	vsel vm5, $0x1, v1  }
0x79: {  	vm0 =	vmmov vm0;
	(xrf0) =	vadd.scan.msk.s32 $0xffff, v6;
	v9 =	vxor.u32 $0x80000000, v2  }
0x7a: {  	vm0 =	vmmov vm0;
	vm1 =	vmmov vm1;
	(xrf0) =	vmax.scan.msk.u32 $0xffff, v9  }
0x7b: {  	vm0 =	vmmov vm0;
	vm1 =	vmmov vm1  }
0x7c: {  	s7 =	simm.s32 $0x50;
	vm2 =	vmmov vm2;
	vm4 =	vmmov vm0;
	vm0 =	veq.s32 v7, v0;
	v7 =	vld [tilespmem:s8+$0x3000]  }
0x7d: {  	s9 =	sadd.s32 s30, s11;
	vm6 =	vne.s32 v8, $0x0;
	vm2 =	vmmov vm2;
	vm3 =	vmmov vm1;
	v6 =	vld [tilespmem:s7+$0x0]  }
0x7e: {  	s10 =	simm.s32 $0x180;
	s9 =	sadd.s32 $0x80000000, s9;
	vm1 =	vmmov vm5;
	vm0 =	vmand vm0, vm6;
	v8 =	vsel vm4, $0xFFFFFFFF, v1;
	v5 =	vld [tilespmem:s8+$0x1000]  }
.LBB2_4:
0x7f: {  	p0 =	sne.s32 s10, $0x3FC0;
	v9 =	vld [tilespmem:s7+$0x2000];
	v10 =	vsel vm0, $0x1, v1;
	v11, _, _ =	vpop (xrf0);
	v8 =	vadd.s32 s9, v8;
	s11 =	smov.u32 s3;
	s3 =	smov.u32 s7  }
0x80: {  	(xrf0) =	vadd.scan.msk.s32 $0xffff, v10;
	v10 =	vxor.u32 $0x80000000, v11;
	v12, _, _ =	vpop (xrf0);
	v8 =	vadd.s32 v4, v8;
	v4 =	vmov v3  }
.Ltmp2:
0x81: {  	v3 =	vmovc v2;
	v2 =	vmov v11;
	(xrf0) =	vmax.scan.msk.u32 $0xffff, v10;
	(v2sf) =	vpush v12, $0xF;
	vm5 =	vlt.s32 v8, $0x140;
	(pc) =	sbr.rel @p0 .LBB2_4-.Ltmp2, $4  }
0x82: {  	vm5 =	vmand vm4, vm5;
	s12 =	spop (v2sf);
	vm4 =	vmmov vm3;
	vm3 =	vmmov vm2  }
0x83: {  	s7 =	sshra.s32 s10, $0x2;
	vm2 =	vmmov vm1;
	vm1 =	vmmov vm0;
	v7 =	vsel vm5, v5, v7;
	v5 =	vld [tilespmem:s6+$0x1000];
	s9 =	sadd.s32 s12, s9  }
0x84: {  	vm0 =	veq.s32 v6, v0;
	v6 =	vld [tilespmem:s7+$0x0];
	vm5 =	vne.s32 v9, $0x0;
	[tilespmem:s8+$0x3000] =	vst v7;
	s9 =	sadd.s32 $0x80000000, s9;
	s8 =	smov.u32 s6;
	s6 =	smov.u32 s5  }
0x85: {  	s10 =	sadd.s32 $0x40, s10;
	v8 =	vsel vm4, $0xFFFFFFFF, v1;
	s5 =	smov.u32 s4;
	s4 =	smov.u32 s11;
	vm0 =	vmand vm0, vm5;
	v7 =	vld [tilespmem:s8+$0x3000]  }
0x86: {  	v8 =	vadd.s32 s9, v8  }
0x87: {  	v9 =	vld [tilespmem:s7+$0x2000];
	v10 =	vsel vm0, $0x1, v1;
	v11, _, _ =	vpop (xrf0);
	v4 =	vadd.s32 v4, v8  }
0x88: {  	(xrf0) =	vadd.scan.msk.s32 $0xffff, v10;
	v38 =	vxor.u32 $0x80000000, v11;
	v39, _, _ =	vpop (xrf0);
	vm5 =	vlt.s32 v4, $0x140  }
0x89: {  	(xrf0) =	vmax.scan.msk.u32 $0xffff, v38;
	(v2sf) =	vpush v39, $0xF;
	vm4 =	vmand vm4, vm5  }
0x8a: {  	s10 =	spop (v2sf);
	v5 =	vsel vm4, v5, v7  }
0x8b: {  	v40 =	vld [tilespmem:s6+$0x1000];
	vm13 =	vmmov vm3;
	s17 =	sadd.s32 s10, s9;
	[tilespmem:s8+$0x3000] =	vst v5  }
0x8c: {  	v41 =	vsel vm13, $0xFFFFFFFF, v1;
	s18 =	sadd.s32 $0x80000000, s17;
	vm14 =	veq.s32 v6, v0;
	vm15 =	vne.s32 v9, $0x0;
	v5 =	vld [tilespmem:s6+$0x3000]  }
0x8d: {  	v0 =	vadd.s32 s18, v41;
	vm3 =	vmand vm14, vm15  }
0x8e: {  	v0 =	vadd.s32 v3, v0;
	v42 =	vsel vm3, $0x1, v1;
	v43, _, _ =	vpop (xrf0)  }
0x8f: {  	vm8 =	vlt.s32 v0, $0x140;
	(xrf0) =	vadd.scan.msk.s32 $0xffff, v42;
	v44 =	vxor.u32 $0x80000000, v43;
	v45, _, _ =	vpop (xrf0)  }
0x90: {  	vm4 =	vmand vm13, vm8;
	(xrf0) =	vmax.scan.msk.u32 $0xffff, v44;
	(v2sf) =	vpush v45, $0xF  }
0x91: {  	vm2 =	vmmov vm2;
	s19 =	spop (v2sf);
	v47 =	vsel vm4, v40, v5  }
0x92: {  	vm2 =	vmmov vm2;
	v46 =	vld [tilespmem:s5+$0x1000];
	s8 =	sadd.s32 s19, s18;
	[tilespmem:s6+$0x3000] =	vst v47  }
0x93: {  	v48 =	vsel vm2, $0xFFFFFFFF, v1;
	s20 =	sadd.s32 $0x80000000, s8;
	v49 =	vld [tilespmem:s5+$0x3000]  }
0x94: {  	v3 =	vadd.s32 s20, v48  }
0x95: {  	v50, _, _ =	vpop (xrf0);
	v2 =	vadd.s32 v2, v3  }
0x96: {  	v51, _, _ =	vpop (xrf0);
	vm9 =	vlt.s32 v2, $0x140  }
0x97: {  	vm1 =	vmmov vm1;
	(v2sf) =	vpush v51, $0xF;
	vm2 =	vmand vm2, vm9  }
0x98: {  	vm1 =	vmmov vm1;
	s21 =	spop (v2sf);
	v0 =	vsel vm2, v46, v49  }
0x99: {  	vm1 =	vmmov vm1;
	v52 =	vld [tilespmem:s4+$0x1000];
	v53 =	vxor.u32 $0x80000000, v50;
	s6 =	sadd.s32 s21, s20;
	[tilespmem:s5+$0x3000] =	vst v0  }
0x9a: {  	v54 =	vsel vm1, $0xFFFFFFFF, v1;
	(xrf0) =	vmax.scan.msk.u32 $0xffff, v53;
	s22 =	sadd.s32 $0x80000000, s6;
	v55 =	vld [tilespmem:s4+$0x3000]  }
0x9b: {  	v0 =	vadd.s32 s22, v54  }
0x9c: {  	v0 =	vadd.s32 v11, v0  }
0x9d: {  	vm10 =	vmmov vm0;
	vm11 =	vlt.s32 v0, $0x140  }
0x9e: {  	vm0 =	vmmov vm10;
	vm1 =	vmand vm1, vm11  }
0x9f: {  	vm0 =	vmmov vm0;
	s23 =	spop (v2sf);
	v2 =	vsel vm1, v52, v55  }
0xa0: {  	vm0 =	vmmov vm0;
	v56 =	vld [tilespmem:s3+$0x1000];
	v57, _, _ =	vpop (xrf0);
	s5 =	sadd.s32 s23, s22;
	[tilespmem:s4+$0x3000] =	vst v2  }
0xa1: {  	v58 =	vsel vm0, $0xFFFFFFFF, v1;
	(v2sf) =	vpush v57, $0xF;
	s24 =	sadd.s32 $0x80000000, s5;
	v59 =	vld [tilespmem:s3+$0x3000]  }
0xa2: {  	v2 =	vadd.s32 s24, v58  }
0xa3: {  	v2 =	vadd.s32 v43, v2  }
0xa4: {  	vm12 =	vmmov vm3;
	vm13 =	vlt.s32 v2, $0x140  }
0xa5: {  	vm1 =	vmmov vm12;
	vm0 =	vmand vm0, vm13  }
0xa6: {  	vm1 =	vmmov vm1;
	s25 =	spop (v2sf);
	v0 =	vsel vm0, v56, v59  }
0xa7: {  	v60 =	vld [tilespmem:s7+$0x1000];
	vm14 =	vmmov vm1;
	s4 =	sadd.s32 s25, s24;
	[tilespmem:s3+$0x3000] =	vst v0  }
0xa8: {  	v61 =	vsel vm14, $0xFFFFFFFF, v1;
	s26 =	sadd.s32 $0x80000000, s4;
	v62 =	vld [tilespmem:s7+$0x3000]  }
0xa9: {  	v0 =	vadd.s32 s26, v61  }
0xaa: {  	v0 =	vadd.s32 v50, v0  }
0xab: {  	vm15 =	vlt.s32 v0, $0x140  }
0xac: {  	vm0 =	vmand vm14, vm15  }
0xad: {  	v63 =	vsel vm0, v60, v62  }
0xae: {  	s28 =	simm.s32 $0x80;
	s29 =	simm.s32 $0x400;
	s30 =	simm.s32 $0x3000;
	[tilespmem:s7+$0x3000] =	vst v63  }
0xaf: {  	[hbm4b:s2+s28] =	stream.strided.scatter [tilespmem:s30], [sflag:$0x1], $0x1000, s29, s28, $0x38;
	[tilespmem:$0x4000] =	vst v63  }
0xb0: {  	s31 =	spop (v2sf);
	s2 =	simm.s32 $0x1  }
0xb1: {  	_ =	swait.ge [sflag:s2], $0x1000  }
0xb2: {  	[sflag:s2] =	ssyncset.done $0x0  }
0xb3: {  	[sflag:s2] =	ssyncadd.s32 $0xFFFFF000  }
.LBB2_6:
0xb4: {  	_ =	sfence.sel $0x180000  }
0xb5: {  	[bflag:$0x0] =	sbarrier.arrive $0xFFFF  }
0xb6: {  	p0 =	sne.s32 s1, $0x0;
	_ =	strace $0x90000047  }
0xb7: {  	s0 =	sadd.s32 @!p0 $0x100000, s0;
	[bflag:$0x2] =	sbarrier.arrive $0xFFFF  }
0xb8: {  	[sflag:s0] =	ssyncadd.tile.s32 @!p0 $0x1;
	_ =	shalt  }
.Lfunc_end2:
_tile_overlayer_lowered:
.L_overlay_start_2:
0xb9: {  	(tag) =	ssettag $0x2  }
0xba: {  	s0 =	rddreg [dreg:$0x0];
	s2 =	stileid.u32  }
0xbb: {  	s1 =	rddreg [dreg:$0x1];
	p0 =	sne.s32 s2, $0x0  }
0xbc: {  	s3 =	rddreg [dreg:$0x2];
	[bflag:$0x3] =	sbarrier.arrive $0xFFFF;
	s2 =	simm.s32 @!p0 $0x1C01  }
0xbd: {  	[timem:s3], [sflag:s2] =	dma.local @!p0 [hbm:s0], s1  }
0xbe: {  	s0 =	simm.s32 @!p0 $0x1  }
0xbf: {  	_ =	swait.ge @!p0 [sflag:s0], s1  }
0xc0: {  	s1 =	ssub.s32 @!p0 $0x0, s1;
	[sflag:s0] =	ssyncset.done @!p0 $0x0  }
0xc1: {  	[sflag:s0] =	ssyncadd.s32 @!p0 s1  }
0xc2: {  	[bflag:$0x3] =	sbarrier.arrive $0xFFFF  }
0xc3: {  	_ =	shalt  }

</sc_bundles>
